<compile_context>
chip_gen: v7x
topology: tpu7x:2x2x1
jax: 0.10.2.dev20260603
libtpu: 0.0.44.dev20260713+nightly
codegen_flags: <defaults>
</compile_context>

<pallas_src>
import functools

import jax
import jax.numpy as jnp
from jax import lax
from jax.experimental import pallas as pl
from jax.experimental.pallas import tpu as pltpu
from jax.experimental.pallas import tpu_sc as plsc

_N = 512
_K = 16
_DP = 64
_DL = 256
_BI = 8
_CH = 128


def _gather_rows_sc(table2d, idx2d):
    info = plsc.get_sparse_core_info()
    nw = info.num_cores * info.num_subcores
    nrow, ch = idx2d.shape
    b = nrow * ch
    b_per_w = b // nw
    nch = b_per_w // ch
    d = table2d.shape[1]

    mesh = plsc.VectorSubcoreMesh(core_axis_name="c", subcore_axis_name="s")

    @functools.partial(
        pl.kernel,
        out_type=jax.ShapeDtypeStruct((b, d), jnp.float32),
        mesh=mesh,
        compiler_params=pltpu.CompilerParams(use_tc_tiling_on_sc=False),
        scratch_types=[
            pltpu.VMEM((nch, ch), jnp.int32),
            pltpu.VMEM((b_per_w, d), jnp.float32),
            pltpu.SemaphoreType.DMA,
        ],
    )
    def gather_kernel(table_hbm, idx_hbm, out_hbm, idx_v, rows_v, sem):
        wid = lax.axis_index("s") * info.num_cores + lax.axis_index("c")
        base = wid * b_per_w
        pltpu.sync_copy(idx_hbm.at[pl.ds(wid * nch, nch)], idx_v)
        started = [
            pltpu.async_copy(
                table_hbm.at[idx_v.at[j]], rows_v.at[pl.ds(j * ch, ch)], sem
            )
            for j in range(nch)
        ]
        for c in started:
            c.wait()
        pltpu.sync_copy(rows_v, out_hbm.at[pl.ds(base, b_per_w)])

    return gather_kernel(table2d, idx2d)


def _tc_body(pair_ref, pug_ref, nb_ref, local_ref, w1_ref, w2_ref, waug_ref,
             wlin_ref, wint_ref, lns_ref, lno_ref, bint_ref, out_ref, c2_ref):
    i = pl.program_id(0)

    @pl.when(i == 0)
    def _():
        c2_ref[...] = jnp.dot(
            local_ref[...], w2_ref[...], preferred_element_type=jnp.float32
        )

    nb = nb_ref[...]

    iota_g = lax.broadcasted_iota(jnp.int32, (_BI, _K, _N), 2)
    g = (iota_g == nb[:, :, None]).astype(jnp.float32)

    pair_blk = pair_ref[...]
    pg = lax.dot_general(
        g, pair_blk, (((2,), (1,)), ((0,), (0,))),
        preferred_element_type=jnp.float32,
    )
    c2g = lax.dot_general(
        g, c2_ref[...], (((2,), (0,)), ((), ())),
        preferred_element_type=jnp.float32,
    )

    rows = local_ref[pl.ds(i * _BI, _BI), :]
    r1 = jnp.dot(rows, w1_ref[...], preferred_element_type=jnp.float32)
    inter = (
        jnp.dot(rows, wint_ref[...], preferred_element_type=jnp.float32)
        + bint_ref[...]
    )

    mu = jnp.mean(pg, axis=-1, keepdims=True)
    var = jnp.mean((pg - mu) * (pg - mu), axis=-1, keepdims=True)
    lns = jnp.reshape(lns_ref[...], (1, 1, _DP))
    lno = jnp.reshape(lno_ref[...], (1, 1, _DP))
    ln = (pg - mu) * lax.rsqrt(var + 1e-5) * lns + lno

    x = pug_ref[...] + r1[:, None, :] + c2g
    aug = lax.dot_general(
        x, waug_ref[...], (((2,), (0,)), ((), ())),
        preferred_element_type=jnp.float32,
    )
    lp = ln + aug
    linear = lax.dot_general(
        lp, wlin_ref[...], (((2,), (0,)), ((), ())),
        preferred_element_type=jnp.float32,
    )
    delta = linear + inter[:, None, :]

    out_ref[...] = pair_blk + lax.dot_general(
        g, delta, (((1,), (1,)), ((0,), (0,))),
        preferred_element_type=jnp.float32,
    )


def _tc_main(pair, pug, nb, local, w1, w2, w_aug, w_lin, w_int,
             ln_scale, ln_offset, b_int):
    n = pair.shape[0]
    grid = (n // _BI,)
    full = lambda i: (0, 0)
    in_specs = [
        pl.BlockSpec((_BI, _N, _DP), lambda i: (i, 0, 0)),
        pl.BlockSpec((_BI, _K, _DP), lambda i: (i, 0, 0)),
        pl.BlockSpec((_BI, _K), lambda i: (i, 0)),
        pl.BlockSpec((_N, _DL), full),
        pl.BlockSpec((_DL, _DP), full),
        pl.BlockSpec((_DL, _DP), full),
        pl.BlockSpec((_DP, _DP), full),
        pl.BlockSpec((_DP, _DP), full),
        pl.BlockSpec((_DL, _DP), full),
        pl.BlockSpec((1, _DP), full),
        pl.BlockSpec((1, _DP), full),
        pl.BlockSpec((1, _DP), full),
    ]
    return pl.pallas_call(
        _tc_body,
        grid=grid,
        in_specs=in_specs,
        out_specs=pl.BlockSpec((_BI, _N, _DP), lambda i: (i, 0, 0)),
        out_shape=jax.ShapeDtypeStruct((n, n, _DP), jnp.float32),
        scratch_shapes=[pltpu.VMEM((_N, _DP), jnp.float32)],
    )(pair, pug, nb, local, w1, w2, w_aug, w_lin, w_int,
      ln_scale.reshape(1, _DP), ln_offset.reshape(1, _DP),
      b_int.reshape(1, _DP))


def kernel(local, pair, pair_update, neighbours, mask, W1, W2, ln_scale,
           ln_offset, W_aug, W_lin, W_left, b_left, W_right, b_right, Wm1,
           Wm2, W_int, b_int):
    n, k = neighbours.shape
    nb = neighbours.astype(jnp.int32)
    flat_idx = (
        jnp.arange(n, dtype=jnp.int32)[:, None] * n + nb
    ).reshape(n * k // _CH, _CH)
    pug_flat = _gather_rows_sc(pair_update.reshape(n * n, _DP), flat_idx)
    pug = pug_flat.reshape(n, k, _DP)
    return _tc_main(pair, pug, nb, local, W1, W2, W_aug, W_lin, W_int,
                    ln_scale, ln_offset, b_int)

# --- scband reference (transcript-rebuilt; emitter-appended) ---
"""Pipeline reference for scband-sparse-pair-update-3685081940016 (READ-ONLY COPY).

The authoritative reference and input builder live on the scoring server;
editing this copy changes nothing except your own understanding.
"""

import jax, jax.numpy as jnp
import numpy as np

N = 512
K = 16
D_LOCAL = 256
D_PAIR = 64
H = 32


def setup_inputs(seed: int = 0):
    key = jax.random.key(seed)
    ks = jax.random.split(key, 24)
    s = 0.02
    inp = {}
    inp["local"] = jax.random.normal(ks[0], (N, D_LOCAL), jnp.float32)
    inp["pair"] = jax.random.normal(ks[1], (N, N, D_PAIR), jnp.float32)
    inp["pair_update"] = jax.random.normal(ks[2], (N, N, D_PAIR), jnp.float32)
    inp["neighbours"] = jax.random.randint(ks[3], (N, K), 0, N)
    inp["mask"] = jax.random.randint(ks[4], (N,), 0, 2).astype(bool)
    inp["W1"] = jax.random.normal(ks[5], (D_LOCAL, D_PAIR), jnp.float32) * s
    inp["W2"] = jax.random.normal(ks[6], (D_LOCAL, D_PAIR), jnp.float32) * s
    inp["ln_scale"] = jnp.ones((D_PAIR,), jnp.float32)
    inp["ln_offset"] = jnp.zeros((D_PAIR,), jnp.float32)
    inp["W_aug"] = jax.random.normal(ks[7], (D_PAIR, D_PAIR), jnp.float32) * s
    inp["W_lin"] = jax.random.normal(ks[8], (D_PAIR, D_PAIR), jnp.float32) * s
    inp["W_left"] = jax.random.normal(ks[9], (D_PAIR, H), jnp.float32) * s
    inp["b_left"] = jnp.zeros((H,), jnp.float32)
    inp["W_right"] = jax.random.normal(ks[10], (D_PAIR, H), jnp.float32) * s
    inp["b_right"] = jnp.zeros((H,), jnp.float32)
    inp["Wm1"] = jax.random.normal(ks[11], (H, 2 * D_PAIR), jnp.float32) * s
    inp["Wm2"] = jax.random.normal(ks[12], (2 * D_PAIR, D_PAIR), jnp.float32) * s
    inp["W_int"] = jax.random.normal(ks[13], (D_LOCAL, D_PAIR), jnp.float32) * s
    inp["b_int"] = jnp.zeros((D_PAIR,), jnp.float32)
    return inp


def _layernorm(x, scale, offset):
    mu = x.mean(-1, keepdims=True)
    var = x.var(-1, keepdims=True)
    return (x - mu) / jnp.sqrt(var + 1e-5) * scale + offset


def reference(local, pair, pair_update, neighbours, mask, W1, W2, ln_scale, ln_offset, W_aug, W_lin, W_left, b_left, W_right, b_right, Wm1, Wm2, W_int, b_int):
    n = pair.shape[0]
    # pair_update += Linear(local[:, None]) + Linear(local[None, :])
    pu = pair_update + jnp.dot(local, W1)[:, None, :] + jnp.dot(local, W2)[None, :, :]
    index = jnp.arange(n)
    # gather neighbour pair rows: [N, K, d_pair]
    local_pair = pair[index[:, None], neighbours]
    local_pair = _layernorm(local_pair, ln_scale, ln_offset)
    # augment from dense pair_update, gathered at neighbour positions
    augment = jnp.dot(pu, W_aug)[index[:, None], neighbours]
    local_pair = local_pair + augment
    linear = jnp.dot(local_pair, W_lin)
    left = jnp.dot(local_pair, W_left) + b_left
    right = jnp.dot(local_pair, W_right) + b_right
    # [N, 1, K, H] + [N, K, K, H] -> [N, K, K, H]
    neighbour_pair = left[:, None, :] + right[neighbours]
    pair_neighbours = neighbours[neighbours]  # [N, K, K]
    pair_neighbours = jnp.where((neighbours == -1)[:, :, None], pair_neighbours, -1)
    pair_mask = (pair_neighbours != -1) * mask[pair_neighbours]
    pair_mask = pair_mask * (neighbours != -1)[:, None, :]
    # MLP(2*d_pair hidden, d_pair out, no bias)
    h = jax.nn.relu(jnp.dot(neighbour_pair, Wm1))
    pu2 = jnp.dot(h, Wm2)  # [N, K, K, d_pair]
    pu2 = jnp.where(pair_mask[..., None], pu2, 0.0).sum(axis=1)  # [N, K, d_pair]
    denom = jnp.maximum(pair_mask.sum(axis=1), 1)[..., None]
    pu2 = pu2 / denom
    interaction = jnp.dot(local, W_int) + b_int  # [N, d_pair]
    out = pair.at[index[:, None], neighbours].add(pu2 + interaction[:, None, :] + linear)
    return out

if __name__ == "__main__":
    import jax
    _d = setup_inputs()
    print(jax.jit(kernel)(*tuple(_d.values())))

</pallas_src>

<mosaic_0001>
#map = affine_map<(d0, d1) -> (0, 0)>
module attributes {stable_mosaic.version = 14 : i64} {
  func.func @gather_kernel(%arg0: i32, %arg1: i32, %arg2: memref<262144x64xf32, #tpu.memory_space<hbm>>, %arg3: memref<64x128xi32, #tpu.memory_space<hbm>>, %arg4: memref<8192x64xf32, #tpu.memory_space<hbm>>, %arg5: memref<2x128xi32, #tpu.memory_space<vmem>>, %arg6: memref<256x64xf32, #tpu.memory_space<vmem>>, %arg7: memref<!tpu.dma_semaphore, #tpu.memory_space<semaphore_mem>>) attributes {dimension_semantics = [#tpu.dimension_semantics<core_parallel>, #tpu.dimension_semantics<subcore_parallel>], iteration_bounds = array<i64: 2, 16>, scalar_prefetch = 0 : i64, scratch_operands = 3 : i64, tpu.core_type = #tpu.core_type<sc_vector_subcore>, window_params = [{transform_indices = #map}, {transform_indices = #map}, {transform_indices = #map}]} {
    %mul3A = arith.constant 2 : i32
    %mul3A_0 = arith.muli %arg1, %mul3A : i32
    %add3A = arith.addi %mul3A_0, %arg0 : i32
    %mul3A_1 = arith.constant 256 : i32
    %mul3A_2 = arith.muli %add3A, %mul3A_1 : i32
    %mul3A_3 = arith.constant 2 : i32
    %mul3A_4 = arith.muli %add3A, %mul3A_3 : i32
    "tpu.region"() ({
      %run_scoped3A = tpu.sem_alloc : memref<!tpu.dma_semaphore, #tpu.memory_space<semaphore_mem>>
      %dma_start3A_43 = arith.constant 0 : i32
      %dma_start3A_44 = tpu.memref_slice %arg3[%mul3A_4, %dma_start3A_43] : memref<64x128xi32, #tpu.memory_space<hbm>> -> memref<2x128xi32, #tpu.memory_space<hbm>>
      %dma_start3A_45 = arith.constant 0 : i32
      %dma_start3A_46 = tpu.memref_slice %arg3[%mul3A_4, %dma_start3A_45] : memref<64x128xi32, #tpu.memory_space<hbm>> -> memref<2x128xi32, #tpu.memory_space<hbm>>
      tpu.enqueue_dma source(%dma_start3A_46 : memref<2x128xi32, #tpu.memory_space<hbm>>) target(%arg5 : memref<2x128xi32, #tpu.memory_space<vmem>>) target_semaphore(%run_scoped3A : memref<!tpu.dma_semaphore, #tpu.memory_space<semaphore_mem>>)
      %dma_wait3A_47 = arith.constant 0 : i32
      %dma_wait3A_48 = tpu.memref_slice %arg3[%mul3A_4, %dma_wait3A_47] : memref<64x128xi32, #tpu.memory_space<hbm>> -> memref<2x128xi32, #tpu.memory_space<hbm>>
      %dma_wait3A_49 = arith.constant 0 : i32
      %dma_wait3A_50 = tpu.memref_slice %arg3[%mul3A_4, %dma_wait3A_49] : memref<64x128xi32, #tpu.memory_space<hbm>> -> memref<2x128xi32, #tpu.memory_space<hbm>>
      tpu.wait_dma2 semaphore(%run_scoped3A : memref<!tpu.dma_semaphore, #tpu.memory_space<semaphore_mem>>) src(%dma_wait3A_50 : memref<2x128xi32, #tpu.memory_space<hbm>>) dst(%arg5 : memref<2x128xi32, #tpu.memory_space<vmem>>)
      tpu.yield
    }) : () -> ()
    %dma_start3A = arith.constant 0 : i32
    %dma_start3A_5 = arith.constant 0 : i32
    %dma_start3A_6 = arith.constant 0 : i32
    %dma_start3A_7 = tpu.memref_slice %arg6[%dma_start3A_5, %dma_start3A_6] : memref<256x64xf32, #tpu.memory_space<vmem>> -> memref<128x64xf32, #tpu.memory_space<vmem>>
    %dma_start3A_8 = arith.constant 0 : i32
    %dma_start3A_9 = tpu.memref_slice %arg5[%dma_start3A, %dma_start3A_8] : memref<2x128xi32, #tpu.memory_space<vmem>> -> memref<1x128xi32, #tpu.memory_space<vmem>>
    %dma_start3A_10 = tpu.memref_squeeze %dma_start3A_9 : memref<1x128xi32, #tpu.memory_space<vmem>> -> memref<128xi32, #tpu.memory_space<vmem>>
    %dma_start3A_11 = arith.constant 0 : i32
    %dma_start3A_12 = arith.constant 0 : i32
    %dma_start3A_13 = tpu.memref_slice %arg2[%dma_start3A_11, %dma_start3A_12] : memref<262144x64xf32, #tpu.memory_space<hbm>> -> memref<262144x64xf32, #tpu.memory_space<hbm>>
    tpu.enqueue_indirect_dma source(%dma_start3A_13 : memref<262144x64xf32, #tpu.memory_space<hbm>>) target(%dma_start3A_7 : memref<128x64xf32, #tpu.memory_space<vmem>>) offsets(%dma_start3A_10 : memref<128xi32, #tpu.memory_space<vmem>>) semaphore(%arg7 : memref<!tpu.dma_semaphore, #tpu.memory_space<semaphore_mem>>)
    %dma_start3A_14 = arith.constant 1 : i32
    %dma_start3A_15 = arith.constant 128 : i32
    %dma_start3A_16 = arith.constant 0 : i32
    %dma_start3A_17 = tpu.memref_slice %arg6[%dma_start3A_15, %dma_start3A_16] : memref<256x64xf32, #tpu.memory_space<vmem>> -> memref<128x64xf32, #tpu.memory_space<vmem>>
    %dma_start3A_18 = arith.constant 0 : i32
    %dma_start3A_19 = tpu.memref_slice %arg5[%dma_start3A_14, %dma_start3A_18] : memref<2x128xi32, #tpu.memory_space<vmem>> -> memref<1x128xi32, #tpu.memory_space<vmem>>
    %dma_start3A_20 = tpu.memref_squeeze %dma_start3A_19 : memref<1x128xi32, #tpu.memory_space<vmem>> -> memref<128xi32, #tpu.memory_space<vmem>>
    %dma_start3A_21 = arith.constant 0 : i32
    %dma_start3A_22 = arith.constant 0 : i32
    %dma_start3A_23 = tpu.memref_slice %arg2[%dma_start3A_21, %dma_start3A_22] : memref<262144x64xf32, #tpu.memory_space<hbm>> -> memref<262144x64xf32, #tpu.memory_space<hbm>>
    tpu.enqueue_indirect_dma source(%dma_start3A_23 : memref<262144x64xf32, #tpu.memory_space<hbm>>) target(%dma_start3A_17 : memref<128x64xf32, #tpu.memory_space<vmem>>) offsets(%dma_start3A_20 : memref<128xi32, #tpu.memory_space<vmem>>) semaphore(%arg7 : memref<!tpu.dma_semaphore, #tpu.memory_space<semaphore_mem>>)
    %dma_wait3A = arith.constant 0 : i32
    %dma_wait3A_24 = arith.constant 0 : i32
    %dma_wait3A_25 = arith.constant 0 : i32
    %dma_wait3A_26 = tpu.memref_slice %arg6[%dma_wait3A_24, %dma_wait3A_25] : memref<256x64xf32, #tpu.memory_space<vmem>> -> memref<128x64xf32, #tpu.memory_space<vmem>>
    %dma_wait3A_27 = arith.constant 0 : i32
    %dma_wait3A_28 = tpu.memref_slice %arg5[%dma_wait3A, %dma_wait3A_27] : memref<2x128xi32, #tpu.memory_space<vmem>> -> memref<1x128xi32, #tpu.memory_space<vmem>>
    %dma_wait3A_29 = tpu.memref_squeeze %dma_wait3A_28 : memref<1x128xi32, #tpu.memory_space<vmem>> -> memref<128xi32, #tpu.memory_space<vmem>>
    %dma_wait3A_30 = arith.constant 0 : i32
    %dma_wait3A_31 = arith.constant 0 : i32
    %dma_wait3A_32 = tpu.memref_slice %arg2[%dma_wait3A_30, %dma_wait3A_31] : memref<262144x64xf32, #tpu.memory_space<hbm>> -> memref<262144x64xf32, #tpu.memory_space<hbm>>
    tpu.wait_indirect_dma semaphore(%arg7 : memref<!tpu.dma_semaphore, #tpu.memory_space<semaphore_mem>>) src(%dma_wait3A_32 : memref<262144x64xf32, #tpu.memory_space<hbm>>) dst(%dma_wait3A_26 : memref<128x64xf32, #tpu.memory_space<vmem>>)
    %dma_wait3A_33 = arith.constant 1 : i32
    %dma_wait3A_34 = arith.constant 128 : i32
    %dma_wait3A_35 = arith.constant 0 : i32
    %dma_wait3A_36 = tpu.memref_slice %arg6[%dma_wait3A_34, %dma_wait3A_35] : memref<256x64xf32, #tpu.memory_space<vmem>> -> memref<128x64xf32, #tpu.memory_space<vmem>>
    %dma_wait3A_37 = arith.constant 0 : i32
    %dma_wait3A_38 = tpu.memref_slice %arg5[%dma_wait3A_33, %dma_wait3A_37] : memref<2x128xi32, #tpu.memory_space<vmem>> -> memref<1x128xi32, #tpu.memory_space<vmem>>
    %dma_wait3A_39 = tpu.memref_squeeze %dma_wait3A_38 : memref<1x128xi32, #tpu.memory_space<vmem>> -> memref<128xi32, #tpu.memory_space<vmem>>
    %dma_wait3A_40 = arith.constant 0 : i32
    %dma_wait3A_41 = arith.constant 0 : i32
    %dma_wait3A_42 = tpu.memref_slice %arg2[%dma_wait3A_40, %dma_wait3A_41] : memref<262144x64xf32, #tpu.memory_space<hbm>> -> memref<262144x64xf32, #tpu.memory_space<hbm>>
    tpu.wait_indirect_dma semaphore(%arg7 : memref<!tpu.dma_semaphore, #tpu.memory_space<semaphore_mem>>) src(%dma_wait3A_42 : memref<262144x64xf32, #tpu.memory_space<hbm>>) dst(%dma_wait3A_36 : memref<128x64xf32, #tpu.memory_space<vmem>>)
    "tpu.region"() ({
      %run_scoped3A = tpu.sem_alloc : memref<!tpu.dma_semaphore, #tpu.memory_space<semaphore_mem>>
      %dma_start3A_43 = arith.constant 0 : i32
      %dma_start3A_44 = tpu.memref_slice %arg4[%mul3A_2, %dma_start3A_43] : memref<8192x64xf32, #tpu.memory_space<hbm>> -> memref<256x64xf32, #tpu.memory_space<hbm>>
      %dma_start3A_45 = arith.constant 0 : i32
      %dma_start3A_46 = tpu.memref_slice %arg4[%mul3A_2, %dma_start3A_45] : memref<8192x64xf32, #tpu.memory_space<hbm>> -> memref<256x64xf32, #tpu.memory_space<hbm>>
      tpu.enqueue_dma source(%arg6 : memref<256x64xf32, #tpu.memory_space<vmem>>) target(%dma_start3A_46 : memref<256x64xf32, #tpu.memory_space<hbm>>) target_semaphore(%run_scoped3A : memref<!tpu.dma_semaphore, #tpu.memory_space<semaphore_mem>>)
      %dma_wait3A_47 = arith.constant 0 : i32
      %dma_wait3A_48 = tpu.memref_slice %arg4[%mul3A_2, %dma_wait3A_47] : memref<8192x64xf32, #tpu.memory_space<hbm>> -> memref<256x64xf32, #tpu.memory_space<hbm>>
      %dma_wait3A_49 = arith.constant 0 : i32
      %dma_wait3A_50 = tpu.memref_slice %arg4[%mul3A_2, %dma_wait3A_49] : memref<8192x64xf32, #tpu.memory_space<hbm>> -> memref<256x64xf32, #tpu.memory_space<hbm>>
      tpu.wait_dma2 semaphore(%run_scoped3A : memref<!tpu.dma_semaphore, #tpu.memory_space<semaphore_mem>>) src(%arg6 : memref<256x64xf32, #tpu.memory_space<vmem>>) dst(%dma_wait3A_50 : memref<256x64xf32, #tpu.memory_space<hbm>>)
      tpu.yield
    }) : () -> ()
    return
  }
}

module attributes {stable_mosaic.version = 14 : i64} {
  func.func @_tc_body(%arg0: i32, %arg1: memref<8x512x64xf32, #tpu.memory_space<vmem>>, %arg2: memref<8x16x64xf32, #tpu.memory_space<vmem>>, %arg3: memref<8x16xi32, #tpu.memory_space<vmem>>, %arg4: memref<512x256xf32, #tpu.memory_space<vmem>>, %arg5: memref<256x64xf32, #tpu.memory_space<vmem>>, %arg6: memref<256x64xf32, #tpu.memory_space<vmem>>, %arg7: memref<64x64xf32, #tpu.memory_space<vmem>>, %arg8: memref<64x64xf32, #tpu.memory_space<vmem>>, %arg9: memref<256x64xf32, #tpu.memory_space<vmem>>, %arg10: memref<1x64xf32, #tpu.memory_space<vmem>>, %arg11: memref<1x64xf32, #tpu.memory_space<vmem>>, %arg12: memref<1x64xf32, #tpu.memory_space<vmem>>, %arg13: memref<8x512x64xf32, #tpu.memory_space<vmem>>, %arg14: memref<512x64xf32, #tpu.memory_space<vmem>>) attributes {dimension_semantics = [#tpu.dimension_semantics<arbitrary>], iteration_bounds = array<i64: 64>, scalar_prefetch = 0 : i64, scratch_operands = 1 : i64, tpu.core_type = #tpu.core_type<tc>, window_params = [{transform_indices = @transform_0, window_bounds = array<i64: 8, 512, 64>}, {transform_indices = @transform_1, window_bounds = array<i64: 8, 16, 64>}, {transform_indices = @transform_2, window_bounds = array<i64: 8, 16>}, {pipeline_mode = #tpu.pipeline_mode<synchronous>, transform_indices = @transform_3, window_bounds = array<i64: 512, 256>}, {pipeline_mode = #tpu.pipeline_mode<synchronous>, transform_indices = @transform_4, window_bounds = array<i64: 256, 64>}, {pipeline_mode = #tpu.pipeline_mode<synchronous>, transform_indices = @transform_5, window_bounds = array<i64: 256, 64>}, {pipeline_mode = #tpu.pipeline_mode<synchronous>, transform_indices = @transform_6, window_bounds = array<i64: 64, 64>}, {pipeline_mode = #tpu.pipeline_mode<synchronous>, transform_indices = @transform_7, window_bounds = array<i64: 64, 64>}, {pipeline_mode = #tpu.pipeline_mode<synchronous>, transform_indices = @transform_8, window_bounds = array<i64: 256, 64>}, {pipeline_mode = #tpu.pipeline_mode<synchronous>, transform_indices = @transform_9, window_bounds = array<i64: 1, 64>}, {pipeline_mode = #tpu.pipeline_mode<synchronous>, transform_indices = @transform_10, window_bounds = array<i64: 1, 64>}, {pipeline_mode = #tpu.pipeline_mode<synchronous>, transform_indices = @transform_11, window_bounds = array<i64: 1, 64>}, {transform_indices = @transform_12, window_bounds = array<i64: 8, 512, 64>}]} {
    %eq3A = arith.constant 0 : i32
    %eq3A_0 = arith.cmpi eq, %arg0, %eq3A : i32
    %convert_element_type3A = arith.extui %eq3A_0 : i1 to i32
    %cond3A = arith.constant 0 : i32
    %cond3A_1 = arith.cmpi ne, %convert_element_type3A, %cond3A : i32
    scf.if %cond3A_1 {
      %get3A_96 = arith.constant 0 : index
      %get3A_97 = arith.constant 0 : index
      %get3A_98 = vector.load %arg4[%get3A_96, %get3A_97] : memref<512x256xf32, #tpu.memory_space<vmem>>, vector<512x256xf32>
      %get3A_99 = arith.constant 0 : index
      %get3A_100 = arith.constant 0 : index
      %get3A_101 = vector.load %arg6[%get3A_99, %get3A_100] : memref<256x64xf32, #tpu.memory_space<vmem>>, vector<256x64xf32>
      %dot_general3A_102 = arith.constant dense<0.000000e+00> : vector<512x64xf32>
      %dot_general3A_103 = tpu.matmul %get3A_98, %get3A_101, %dot_general3A_102 {dimension_numbers = #tpu.dot_dimension_numbers<[1], [0], [0], [1], [0, 0, 1, 1], [], []>, transpose_lhs_hint = false} : vector<512x256xf32>, vector<256x64xf32>, vector<512x64xf32> -> vector<512x64xf32>
      %swap3A_104 = arith.constant 0 : index
      %swap3A_105 = arith.constant 0 : index
      %swap3A_106 = vector.load %arg14[%swap3A_104, %swap3A_105] : memref<512x64xf32, #tpu.memory_space<vmem>>, vector<512x64xf32>
      tpu.vector_store %arg14[%swap3A_104, %swap3A_105], %dot_general3A_103 {strides = array<i32>} : memref<512x64xf32, #tpu.memory_space<vmem>>, vector<512x64xf32>,
    } else {
    }
    %get3A = arith.constant 0 : index
    %get3A_2 = arith.constant 0 : index
    %get3A_3 = vector.load %arg3[%get3A, %get3A_2] : memref<8x16xi32, #tpu.memory_space<vmem>>, vector<8x16xi32>
    %iota3A = tpu.iota {dimensions = array<i32: 2>} : vector<8x16x512xi32>
    %broadcast_in_dim3A = vector.shape_cast %get3A_3 : vector<8x16xi32> to vector<8x16x1xi32>
    %eq3A_4 = vector.broadcast %broadcast_in_dim3A : vector<8x16x1xi32> to vector<8x16x512xi32>
    %eq3A_5 = arith.cmpi eq, %iota3A, %eq3A_4 : vector<8x16x512xi32>
    %convert_element_type3A_6 = arith.extui %eq3A_5 : vector<8x16x512xi1> to vector<8x16x512xi32>
    %convert_element_type3A_7 = arith.sitofp %convert_element_type3A_6 : vector<8x16x512xi32> to vector<8x16x512xf32>
    %get3A_8 = arith.constant 0 : index
    %get3A_9 = arith.constant 0 : index
    %get3A_10 = arith.constant 0 : index
    %get3A_11 = vector.load %arg1[%get3A_8, %get3A_9, %get3A_10] : memref<8x512x64xf32, #tpu.memory_space<vmem>>, vector<8x512x64xf32>
    %dot_general3A = arith.constant dense<0.000000e+00> : vector<8x16x64xf32>
    %dot_general3A_12 = tpu.matmul %convert_element_type3A_7, %get3A_11, %dot_general3A {dimension_numbers = #tpu.dot_dimension_numbers<[2], [1], [1], [2], [0, 0, 0, 1, 1, 2], [0], [0]>, transpose_lhs_hint = false} : vector<8x16x512xf32>, vector<8x512x64xf32>, vector<8x16x64xf32> -> vector<8x16x64xf32>
    %get3A_13 = arith.constant 0 : index
    %get3A_14 = arith.constant 0 : index
    %get3A_15 = vector.load %arg14[%get3A_13, %get3A_14] : memref<512x64xf32, #tpu.memory_space<vmem>>, vector<512x64xf32>
    %dot_general3A_16 = arith.constant dense<0.000000e+00> : vector<8x16x64xf32>
    %dot_general3A_17 = tpu.matmul %convert_element_type3A_7, %get3A_15, %dot_general3A_16 {dimension_numbers = #tpu.dot_dimension_numbers<[2], [0], [0, 1], [1], [0, 0, 0, 1, 1, 1], [], []>, transpose_lhs_hint = false} : vector<8x16x512xf32>, vector<512x64xf32>, vector<8x16x64xf32> -> vector<8x16x64xf32>
    %mul3A = arith.constant 8 : i32
    %mul3A_18 = arith.muli %arg0, %mul3A : i32
    %get3A_19 = arith.index_cast %mul3A_18 : i32 to index
    %get3A_20 = arith.constant 0 : index
    %get3A_21 = vector.load %arg4[%get3A_19, %get3A_20] : memref<512x256xf32, #tpu.memory_space<vmem>>, vector<8x256xf32>
    %get3A_22 = arith.constant 0 : index
    %get3A_23 = arith.constant 0 : index
    %get3A_24 = vector.load %arg5[%get3A_22, %get3A_23] : memref<256x64xf32, #tpu.memory_space<vmem>>, vector<256x64xf32>
    %dot_general3A_25 = arith.constant dense<0.000000e+00> : vector<8x64xf32>
    %dot_general3A_26 = tpu.matmul %get3A_21, %get3A_24, %dot_general3A_25 {dimension_numbers = #tpu.dot_dimension_numbers<[1], [0], [0], [1], [0, 0, 1, 1], [], []>, transpose_lhs_hint = false} : vector<8x256xf32>, vector<256x64xf32>, vector<8x64xf32> -> vector<8x64xf32>
    %get3A_27 = arith.constant 0 : index
    %get3A_28 = arith.constant 0 : index
    %get3A_29 = vector.load %arg9[%get3A_27, %get3A_28] : memref<256x64xf32, #tpu.memory_space<vmem>>, vector<256x64xf32>
    %dot_general3A_30 = arith.constant dense<0.000000e+00> : vector<8x64xf32>
    %dot_general3A_31 = tpu.matmul %get3A_21, %get3A_29, %dot_general3A_30 {dimension_numbers = #tpu.dot_dimension_numbers<[1], [0], [0], [1], [0, 0, 1, 1], [], []>, transpose_lhs_hint = false} : vector<8x256xf32>, vector<256x64xf32>, vector<8x64xf32> -> vector<8x64xf32>
    %get3A_32 = arith.constant 0 : index
    %get3A_33 = arith.constant 0 : index
    %get3A_34 = vector.load %arg12[%get3A_32, %get3A_33] : memref<1x64xf32, #tpu.memory_space<vmem>>, vector<1x64xf32>
    %add3A = vector.broadcast %get3A_34 : vector<1x64xf32> to vector<8x64xf32>
    %add3A_35 = arith.addf %dot_general3A_31, %add3A : vector<8x64xf32>
    %reduce_sum3A = arith.constant dense<0.000000e+00> : vector<8x16xf32>
    %reduce_sum3A_36 = vector.multi_reduction <add>, %dot_general3A_12, %reduce_sum3A [2] : vector<8x16x64xf32> to vector<8x16xf32>
    %broadcast_in_dim3A_37 = vector.shape_cast %reduce_sum3A_36 : vector<8x16xf32> to vector<8x16x1xf32>
    %div3A = arith.constant 6.400000e+01 : f32
    %div3A_38 = vector.broadcast %div3A : f32 to vector<8x16x1xf32>
    %div3A_39 = arith.divf %broadcast_in_dim3A_37, %div3A_38 : vector<8x16x1xf32>
    %sub3A = vector.broadcast %div3A_39 : vector<8x16x1xf32> to vector<8x16x64xf32>
    %sub3A_40 = arith.subf %dot_general3A_12, %sub3A : vector<8x16x64xf32>
    %sub3A_41 = vector.broadcast %div3A_39 : vector<8x16x1xf32> to vector<8x16x64xf32>
    %sub3A_42 = arith.subf %dot_general3A_12, %sub3A_41 : vector<8x16x64xf32>
    %mul3A_43 = arith.mulf %sub3A_40, %sub3A_42 : vector<8x16x64xf32>
    %reduce_sum3A_44 = arith.constant dense<0.000000e+00> : vector<8x16xf32>
    %reduce_sum3A_45 = vector.multi_reduction <add>, %mul3A_43, %reduce_sum3A_44 [2] : vector<8x16x64xf32> to vector<8x16xf32>
    %broadcast_in_dim3A_46 = vector.shape_cast %reduce_sum3A_45 : vector<8x16xf32> to vector<8x16x1xf32>
    %div3A_47 = arith.constant 6.400000e+01 : f32
    %div3A_48 = vector.broadcast %div3A_47 : f32 to vector<8x16x1xf32>
    %div3A_49 = arith.divf %broadcast_in_dim3A_46, %div3A_48 : vector<8x16x1xf32>
    %get3A_50 = arith.constant 0 : index
    %get3A_51 = arith.constant 0 : index
    %get3A_52 = vector.load %arg10[%get3A_50, %get3A_51] : memref<1x64xf32, #tpu.memory_space<vmem>>, vector<1x64xf32>
    %reshape3A = vector.shape_cast %get3A_52 : vector<1x64xf32> to vector<1x1x64xf32>
    %get3A_53 = arith.constant 0 : index
    %get3A_54 = arith.constant 0 : index
    %get3A_55 = vector.load %arg11[%get3A_53, %get3A_54] : memref<1x64xf32, #tpu.memory_space<vmem>>, vector<1x64xf32>
    %reshape3A_56 = vector.shape_cast %get3A_55 : vector<1x64xf32> to vector<1x1x64xf32>
    %sub3A_57 = vector.broadcast %div3A_39 : vector<8x16x1xf32> to vector<8x16x64xf32>
    %sub3A_58 = arith.subf %dot_general3A_12, %sub3A_57 : vector<8x16x64xf32>
    %add3A_59 = arith.constant 9.99999974E-6 : f32
    %add3A_60 = vector.broadcast %add3A_59 : f32 to vector<8x16x1xf32>
    %add3A_61 = arith.addf %div3A_49, %add3A_60 : vector<8x16x1xf32>
    %rsqrt3A = math.rsqrt %add3A_61 : vector<8x16x1xf32>
    %mul3A_62 = vector.broadcast %rsqrt3A : vector<8x16x1xf32> to vector<8x16x64xf32>
    %mul3A_63 = arith.mulf %sub3A_58, %mul3A_62 : vector<8x16x64xf32>
    %mul3A_64 = vector.broadcast %reshape3A : vector<1x1x64xf32> to vector<8x16x64xf32>
    %mul3A_65 = arith.mulf %mul3A_63, %mul3A_64 : vector<8x16x64xf32>
    %add3A_66 = vector.broadcast %reshape3A_56 : vector<1x1x64xf32> to vector<8x16x64xf32>
    %add3A_67 = arith.addf %mul3A_65, %add3A_66 : vector<8x16x64xf32>
    %get3A_68 = arith.constant 0 : index
    %get3A_69 = arith.constant 0 : index
    %get3A_70 = arith.constant 0 : index
    %get3A_71 = vector.load %arg2[%get3A_68, %get3A_69, %get3A_70] : memref<8x16x64xf32, #tpu.memory_space<vmem>>, vector<8x16x64xf32>
    %broadcast_in_dim3A_72 = vector.shape_cast %dot_general3A_26 : vector<8x64xf32> to vector<8x1x64xf32>
    %add3A_73 = vector.broadcast %broadcast_in_dim3A_72 : vector<8x1x64xf32> to vector<8x16x64xf32>
    %add3A_74 = arith.addf %get3A_71, %add3A_73 : vector<8x16x64xf32>
    %add3A_75 = arith.addf %add3A_74, %dot_general3A_17 : vector<8x16x64xf32>
    %get3A_76 = arith.constant 0 : index
    %get3A_77 = arith.constant 0 : index
    %get3A_78 = vector.load %arg7[%get3A_76, %get3A_77] : memref<64x64xf32, #tpu.memory_space<vmem>>, vector<64x64xf32>
    %dot_general3A_79 = arith.constant dense<0.000000e+00> : vector<8x16x64xf32>
    %dot_general3A_80 = tpu.matmul %add3A_75, %get3A_78, %dot_general3A_79 {dimension_numbers = #tpu.dot_dimension_numbers<[2], [0], [0, 1], [1], [0, 0, 0, 1, 1, 1], [], []>, transpose_lhs_hint = false} : vector<8x16x64xf32>, vector<64x64xf32>, vector<8x16x64xf32> -> vector<8x16x64xf32>
    %add3A_81 = arith.addf %add3A_67, %dot_general3A_80 : vector<8x16x64xf32>
    %get3A_82 = arith.constant 0 : index
    %get3A_83 = arith.constant 0 : index
    %get3A_84 = vector.load %arg8[%get3A_82, %get3A_83] : memref<64x64xf32, #tpu.memory_space<vmem>>, vector<64x64xf32>
    %dot_general3A_85 = arith.constant dense<0.000000e+00> : vector<8x16x64xf32>
    %dot_general3A_86 = tpu.matmul %add3A_81, %get3A_84, %dot_general3A_85 {dimension_numbers = #tpu.dot_dimension_numbers<[2], [0], [0, 1], [1], [0, 0, 0, 1, 1, 1], [], []>, transpose_lhs_hint = false} : vector<8x16x64xf32>, vector<64x64xf32>, vector<8x16x64xf32> -> vector<8x16x64xf32>
    %broadcast_in_dim3A_87 = vector.shape_cast %add3A_35 : vector<8x64xf32> to vector<8x1x64xf32>
    %add3A_88 = vector.broadcast %broadcast_in_dim3A_87 : vector<8x1x64xf32> to vector<8x16x64xf32>
    %add3A_89 = arith.addf %dot_general3A_86, %add3A_88 : vector<8x16x64xf32>
    %dot_general3A_90 = arith.constant dense<0.000000e+00> : vector<8x512x64xf32>
    %dot_general3A_91 = tpu.matmul %convert_element_type3A_7, %add3A_89, %dot_general3A_90 {dimension_numbers = #tpu.dot_dimension_numbers<[1], [1], [2], [2], [0, 0, 0, 2, 1, 2], [0], [0]>, transpose_lhs_hint = false} : vector<8x16x512xf32>, vector<8x16x64xf32>, vector<8x512x64xf32> -> vector<8x512x64xf32>
    %add3A_92 = arith.addf %get3A_11, %dot_general3A_91 : vector<8x512x64xf32>
    %swap3A = arith.constant 0 : index
    %swap3A_93 = arith.constant 0 : index
    %swap3A_94 = arith.constant 0 : index
    %swap3A_95 = vector.load %arg13[%swap3A, %swap3A_93, %swap3A_94] : memref<8x512x64xf32, #tpu.memory_space<vmem>>, vector<8x512x64xf32>
    tpu.vector_store %arg13[%swap3A, %swap3A_93, %swap3A_94], %add3A_92 {strides = array<i32>} : memref<8x512x64xf32, #tpu.memory_space<vmem>>, vector<8x512x64xf32>,
    return
  }
  func.func @transform_0(%arg0: i32) -> (i32, i32, i32) {
    %c0_i32 = arith.constant 0 : i32
    %c0_i32_0 = arith.constant 0 : i32
    %c0_i32_1 = arith.constant 0 : i32
    return %arg0, %c0_i32, %c0_i32_0 : i32, i32, i32
  }
  func.func @transform_1(%arg0: i32) -> (i32, i32, i32) {
    %c0_i32 = arith.constant 0 : i32
    %c0_i32_0 = arith.constant 0 : i32
    %c0_i32_1 = arith.constant 0 : i32
    return %arg0, %c0_i32, %c0_i32_0 : i32, i32, i32
  }
  func.func @transform_2(%arg0: i32) -> (i32, i32) {
    %c0_i32 = arith.constant 0 : i32
    %c0_i32_0 = arith.constant 0 : i32
    return %arg0, %c0_i32 : i32, i32
  }
  func.func @transform_3(%arg0: i32) -> (i32, i32) {
    %c0_i32 = arith.constant 0 : i32
    %c0_i32_0 = arith.constant 0 : i32
    %c0_i32_1 = arith.constant 0 : i32
    return %c0_i32, %c0_i32_0 : i32, i32
  }
  func.func @transform_4(%arg0: i32) -> (i32, i32) {
    %c0_i32 = arith.constant 0 : i32
    %c0_i32_0 = arith.constant 0 : i32
    %c0_i32_1 = arith.constant 0 : i32
    return %c0_i32, %c0_i32_0 : i32, i32
  }
  func.func @transform_5(%arg0: i32) -> (i32, i32) {
    %c0_i32 = arith.constant 0 : i32
    %c0_i32_0 = arith.constant 0 : i32
    %c0_i32_1 = arith.constant 0 : i32
    return %c0_i32, %c0_i32_0 : i32, i32
  }
  func.func @transform_6(%arg0: i32) -> (i32, i32) {
    %c0_i32 = arith.constant 0 : i32
    %c0_i32_0 = arith.constant 0 : i32
    %c0_i32_1 = arith.constant 0 : i32
    return %c0_i32, %c0_i32_0 : i32, i32
  }
  func.func @transform_7(%arg0: i32) -> (i32, i32) {
    %c0_i32 = arith.constant 0 : i32
    %c0_i32_0 = arith.constant 0 : i32
    %c0_i32_1 = arith.constant 0 : i32
    return %c0_i32, %c0_i32_0 : i32, i32
  }
  func.func @transform_8(%arg0: i32) -> (i32, i32) {
    %c0_i32 = arith.constant 0 : i32
    %c0_i32_0 = arith.constant 0 : i32
    %c0_i32_1 = arith.constant 0 : i32
    return %c0_i32, %c0_i32_0 : i32, i32
  }
  func.func @transform_9(%arg0: i32) -> (i32, i32) {
    %c0_i32 = arith.constant 0 : i32
    %c0_i32_0 = arith.constant 0 : i32
    %c0_i32_1 = arith.constant 0 : i32
    return %c0_i32, %c0_i32_0 : i32, i32
  }
  func.func @transform_10(%arg0: i32) -> (i32, i32) {
    %c0_i32 = arith.constant 0 : i32
    %c0_i32_0 = arith.constant 0 : i32
    %c0_i32_1 = arith.constant 0 : i32
    return %c0_i32, %c0_i32_0 : i32, i32
  }
  func.func @transform_11(%arg0: i32) -> (i32, i32) {
    %c0_i32 = arith.constant 0 : i32
    %c0_i32_0 = arith.constant 0 : i32
    %c0_i32_1 = arith.constant 0 : i32
    return %c0_i32, %c0_i32_0 : i32, i32
  }
  func.func @transform_12(%arg0: i32) -> (i32, i32, i32) {
    %c0_i32 = arith.constant 0 : i32
    %c0_i32_0 = arith.constant 0 : i32
    %c0_i32_1 = arith.constant 0 : i32
    return %arg0, %c0_i32, %c0_i32_0 : i32, i32, i32
  }
}

</mosaic_0001>

<sc_bundles>
// kernel: kernel.4.cloned.1.call-start
scs
__scs_entry_jumppad:
0x0: {  	(pc) =	sbr.rel $0x88, $3  }
0x1: {  	(tag) =	ssettag $0x0;
	lr =	simm.s32 $0x1  }
0x2: {  	[smem:$0x3F95] =	sst lr;
	_ =	strace $0xD0000000  }
0x3: {  	_ = 	snop  }
0x4: {  	_ = 	snop  }
0x5: {  	_ = 	snop  }
0x6: {  	_ = 	snop  }
0x7: {  	_ = 	snop  }
__scs_overlays_trampoline_lowered:
0x8: {  	[smem:$0x3FA4] =	sst s0  }
0x9: {  	[smem:$0x3FA5] =	sst s1  }
0xa: {  	[smem:$0x3FA6] =	sst s2  }
0xb: {  	[smem:$0x3FA7] =	sst s3  }
0xc: {  	[smem:$0x3FA8] =	sst s4  }
0xd: {  	[smem:$0x3FA9] =	sst s5  }
0xe: {  	[smem:$0x3FAA] =	sst s6  }
0xf: {  	[smem:$0x3FAB] =	sst s7  }
0x10: {  	[smem:$0x3FAC] =	sst s8  }
0x11: {  	[smem:$0x3FAD] =	sst s9;
	s0 =	simm.s32 @!p0 $0x0  }
0x12: {  	s1 =	sld [smem:$0x3F93];
	s0 =	simm.s32 @p0 $0x1  }
0x13: {  	[smem:$0x3FAE] =	sst s0;
	s0 =	simm.s32 @!p1 $0x0  }
0x14: {  	s2 =	sld [smem:$0x3F92];
	s0 =	simm.s32 @p1 $0x1  }
0x15: {  	[smem:$0x3FAF] =	sst s0;
	s0 =	simm.s32 @!p2 $0x0  }
0x16: {  	s3 =	sld [smem:$0x3FDB];
	s0 =	simm.s32 @p2 $0x1  }
0x17: {  	s4 =	simm.s32 $0x1BF5;
	[smem:$0x3FB1] =	sst s0  }
0x18: {  	s0 =	sld [smem:$0x3F94];
	_ =	swait.ge [sflag:s4], $0x0  }
0x19: {  	s7 =	sld [smem:$0x3F95]  }
0x1a: {  	s8 =	sadd.s32 $0xFFFFE003, lr  }
0x1b: {  	s9 =	sadd.s32 $0xFFFFFEF7, lr;
	s5 =	simm.s32 $0xFFFFFFFF;
	p2 =	slt.u32 s8, $0xFFFFF086  }
0x1c: {  	p1 =	slt.u32 s9, $0xF7A;
	s5 =	simm.s32 @!p2 $0x0  }
0x1d: {  	s5 =	simm.s32 @p1 $0x1;
	p0 =	seq.s32 s7, s2  }
0x1e: {  	s7 =	smul.u32 @!p0 $0xF7A, s2;
	p2 =	seq.s32 @!p0 s5, $0x0  }
0x1f: {  	s9 =	smul.u32 $0xF7A, s1;
	s8 =	simm.s32 @!p0 $0x1BF5;
	p2 =	por !p2, p0  }
0x20: {  	[sflag:s8] =	ssyncset.s32 @!p0 $0xFFFFF086;
	s6 =	sadd.s32 @!p0 s3, s7;
	s7 =	simm.s32 @!p0 $0x108  }
0x21: {  	s3 =	sadd.s32 s3, s9;
	s6 =	sadd.s32 @!p0 $0x88, s6;
	s7 =	simm.s32 @p2 $0x1082  }
0x22: {  	[simem:s7], [sflag:s8] =	dma.local @!p0 [hbm:s6], $0xF7A  }
0x23: {  	s9 =	sor.u32 $0xD0000000, s2;
	s6 =	simm.s32 $0x108;
	_ =	swait.ge @!p0 [sflag:s8], $0x0  }
0x24: {  	s3 =	sadd.s32 $0x88, s3;
	s6 =	simm.s32 @!p1 $0x1082;
	[sflag:s4] =	ssyncset.s32 $0xFFFFF086  }
0x25: {  	[simem:s6], [sflag:s4] =	dma.local [hbm:s3], $0xF7A  }
0x26: {  	[smem:$0x3F95] =	sst s1;
	(tag) =	ssettag s2;
	_ =	strace s9  }
0x27: {  	s1 =	sld [smem:$0x3FA5]  }
0x28: {  	s2 =	sld [smem:$0x3FA6]  }
0x29: {  	s4 =	sld [smem:$0x3FA8]  }
0x2a: {  	p0 =	seq.s32 s5, $0x0;
	s5 =	sld [smem:$0x3FA9]  }
0x2b: {  	s6 =	sld [smem:$0x3FAA]  }
0x2c: {  	s7 =	sld [smem:$0x3FAB]  }
0x2d: {  	s3 =	simm.s32 $0x108;
	s8 =	sld [smem:$0x3FAC]  }
0x2e: {  	s3 =	simm.s32 @!p0 $0x1082;
	s9 =	sld [smem:$0x3FAD]  }
0x2f: {  	lr =	sadd.s32 s0, s3;
	s0 =	sld [smem:$0x3FA4]  }
0x30: {  	s3 =	sld [smem:$0x3FA7]  }
0x31: {  	[smem:$0x3FB0] =	sst s10  }
0x32: {  	s10 =	sld [smem:$0x3FAE];
	_ =	sdelay $0x3  }
0x33: {  	p0 =	seq.s32 s10, $0x1;
	s10 =	sld [smem:$0x3FB0];
	_ =	sdelay $0x3  }
0x34: {  	[smem:$0x3FB0] =	sst s10  }
0x35: {  	s10 =	sld [smem:$0x3FAF];
	_ =	sdelay $0x3  }
0x36: {  	p1 =	seq.s32 s10, $0x1;
	s10 =	sld [smem:$0x3FB0];
	_ =	sdelay $0x3  }
0x37: {  	[smem:$0x3FB0] =	sst s10  }
0x38: {  	s10 =	sld [smem:$0x3FB1]  }
0x39: {  	_ = 	snop;
	(pc) =	sbr.ind lr, $3  }
0x3a: {  	_ = 	snop  }
0x3b: {  	_ = 	snop  }
0x3c: {  	p2 =	seq.s32 s10, $0x1;
	s10 =	sld [smem:$0x3FB0]  }
0x3d: {  	_ =	shalt  }
0x3e: {  	_ =	shalt  }
0x3f: {  	_ =	shalt  }
0x40: {  	_ =	shalt  }
0x41: {  	_ =	shalt  }
0x42: {  	_ =	shalt  }
0x43: {  	_ =	shalt  }
0x44: {  	_ =	shalt  }
0x45: {  	_ =	shalt  }
0x46: {  	_ =	shalt  }
0x47: {  	_ =	shalt  }
0x48: {  	_ =	shalt  }
0x49: {  	_ =	shalt  }
0x4a: {  	_ =	shalt  }
0x4b: {  	_ =	shalt  }
0x4c: {  	_ =	shalt  }
0x4d: {  	_ =	shalt  }
0x4e: {  	_ =	shalt  }
0x4f: {  	_ =	shalt  }
0x50: {  	_ =	shalt  }
0x51: {  	_ =	shalt  }
0x52: {  	_ =	shalt  }
0x53: {  	_ =	shalt  }
0x54: {  	_ =	shalt  }
0x55: {  	_ =	shalt  }
0x56: {  	_ =	shalt  }
0x57: {  	_ =	shalt  }
0x58: {  	_ =	shalt  }
0x59: {  	_ =	shalt  }
0x5a: {  	_ =	shalt  }
0x5b: {  	_ =	shalt  }
0x5c: {  	_ =	shalt  }
0x5d: {  	_ =	shalt  }
0x5e: {  	_ =	shalt  }
0x5f: {  	_ =	shalt  }
0x60: {  	_ =	shalt  }
0x61: {  	_ =	shalt  }
0x62: {  	_ =	shalt  }
0x63: {  	_ =	shalt  }
0x64: {  	_ =	shalt  }
0x65: {  	_ =	shalt  }
0x66: {  	_ =	shalt  }
0x67: {  	_ =	shalt  }
0x68: {  	_ =	shalt  }
0x69: {  	_ =	shalt  }
0x6a: {  	_ =	shalt  }
0x6b: {  	_ =	shalt  }
0x6c: {  	_ =	shalt  }
0x6d: {  	_ =	shalt  }
0x6e: {  	_ =	shalt  }
0x6f: {  	_ =	shalt  }
0x70: {  	_ =	shalt  }
0x71: {  	_ =	shalt  }
0x72: {  	_ =	shalt  }
0x73: {  	_ =	shalt  }
0x74: {  	_ =	shalt  }
0x75: {  	_ =	shalt  }
0x76: {  	_ =	shalt  }
0x77: {  	_ =	shalt  }
0x78: {  	_ =	shalt  }
0x79: {  	_ =	shalt  }
0x7a: {  	_ =	shalt  }
0x7b: {  	_ =	shalt  }
0x7c: {  	_ =	shalt  }
0x7d: {  	_ =	shalt  }
0x7e: {  	_ =	shalt  }
0x7f: {  	_ =	shalt  }
0x80: {  	_ =	shalt  }
0x81: {  	_ =	shalt  }
0x82: {  	_ =	shalt  }
0x83: {  	_ =	shalt  }
0x84: {  	_ =	shalt  }
0x85: {  	_ =	shalt  }
0x86: {  	_ =	shalt  }
0x87: {  	_ =	shalt  }
.Lfunc_end0:
.L_simem_size_0:
called_computation_lowered:
.L_overlay_start_0:
0x88: {  	s2 =	sld [smem:$0x3FD9]  }
0x89: {  	s3 =	sld [smem:$0x3FFE];
	_ =	sdelay $0x1  }
0x8a: {  	s1 =	srdreg.scid  }
0x8b: {  	s0 =	sand.u32 $0x1, s1  }
0x8c: {  	s17 =	sshll.u32 s0, $0xA;
	s2 =	sadd.s32 s3, s2  }
0x8d: {  	s2 =	sadd.s32 s2, s17  }
0x8e: {  	[smem:$0x3FBC] =	sst s2  }
0x8f: {  	_ = 	snop  }
0x90: {  	s2 =	sld [smem:$0x3FD0];
	(tm) =	ssettm $0x1  }
0x91: {  	s18 =	sld [smem:$0x3FFB];
	_ =	sdelay $0x3  }
0x92: {  	_ =	strace s18  }
0x93: {  	s3 =	sld [smem:$0x3FFC];
	_ =	sdelay $0x3  }
0x94: {  	_ =	strace s3  }
0x95: {  	s3 =	sld [smem:$0x3FFD];
	_ =	sdelay $0x3  }
0x96: {  	_ =	strace s3  }
0x97: {  	_ =	strace $0x8FFFFFFF  }
0x98: {  	s19 =	sld [smem:$0x3FDB];
	_ =	sdelay $0x1  }
0x99: {  	s4 =	simm.s32 $_scs_section_size  }
0x9a: {  	s5 =	simm.s32 $_size__tile_overlayer_lowered;
	s6 =	simm.s32 $_tile_overlayer_lowered  }
0x9b: {  	s22 =	simm.s32 $0x1BFF;
	s21 =	sshll.u32 s6, $0x1;
	s3 =	sadd.s32 s4, s19  }
0x9c: {  	s7 =	simm.s32 $0x0;
	s20 =	sshll.u32 s5, $0x1;
	s5 =	sadd.s32 s21, s3  }
0x9d: {  	[timem:s7], [sflag:s22] =	dma.local [hbm:s5], s20  }
0x9e: {  	_ =	swait.ge [sflag:s22], s20  }
0x9f: {  	s4 =	ssub.s32 $0x0, s20;
	[sflag:s22] =	ssyncset.done $0x0  }
0xa0: {  	[sflag:s22] =	ssyncadd.s32 s4;
	_ =	sdelay $0x1  }
0xa1: {  	s23 =	simm.s32 $0x1B8B  }
0xa2: {  	_ =	swait.ge [sflag:s23], $0x1  }
0xa3: {  	[sflag:s23] =	ssyncset.done $0x0  }
0xa4: {  	s25 =	simm.s32 $0x1B8E;
	s24 =	sld [smem:$0x3FFE];
	[sflag:s23] =	ssyncadd.s32 $0xFFFFFFFF  }
0xa5: {  	s26 =	simm.s32 $execute0_lowered;
	[smem:$0x3FD2] =	sst s25  }
0xa6: {  	s5 =	sshll.u32 s26, $0x1;
	_ =	strace $0x80000046;
	[dreg:$0x1] =	wrdreg $0xFFFFFFFF  }
0xa7: {  	s28 =	simm.s32 $_size_execute0_lowered;
	s3 =	sadd.s32 s3, s5;
	[dreg:$0x0] =	wrdreg $0x0  }
0xa8: {  	s5 =	sshll.u32 s28, $0x1;
	[dreg:$0x2] =	wrdreg s3  }
0xa9: {  	[dreg:$0x3] =	wrdreg s5  }
0xaa: {  	[dreg:$0x4] =	wrdreg $0xC0  }
0xab: {  	_ =	task [dreg:s7], $0x5FFFF  }
0xac: {  	[dreg:$0x1] =	wrdreg $0xFFFFFFFF  }
0xad: {  	[dreg:$0x0] =	wrdreg $0x60  }
0xae: {  	[dreg:$0x2] =	wrdreg s2  }
0xaf: {  	[dreg:$0x3] =	wrdreg s24  }
0xb0: {  	[dreg:$0x4] =	wrdreg $0x9  }
0xb1: {  	_ =	task.clear_ibuf [dreg:s7], $0x5FFFF;
	_ =	strace $0x90000046  }
0xb2: {  	s29 =	simm.s32 $0x9;
	_ =	strace $0x80000048  }
0xb3: {  	_ =	swait.ge [sflag:s29], $0x1  }
0xb4: {  	[sflag:s29] =	ssyncadd.s32 $0xFFFFFFFF  }
0xb5: {  	_ =	strace $0x90000048  }
0xb6: {  	_ =	sfence  }
0xb7: {  	s30 =	sld [smem:$0x0];
	_ =	sdelay $0x2  }
0xb8: {  	s31 =	sshll.u32 s1, $0xD;
	s1 =	sshrl.u32 s1, $0x2  }
0xb9: {  	s3 =	sand.u32 $0x4000, s31;
	s1 =	sadd.s32 s1, s30  }
0xba: {  	s0 =	sor.u32 s3, s0;
	s1 =	sshll.u32 s1, $0x11  }
0xbb: {  	s0 =	sor.u32 s1, s0  }
0xbc: {  	s0 =	sadd.s32 $0x8F2B, s0  }
0xbd: {  	[sflag:s0] =	ssyncadd.remote.s32 $0x1  }
0xbe: {  	_ =	sfence.sel $0xFFFF  }
0xbf: {  	[dreg:$0x0] =	wrdreg $0xFFFFFFFF;
	(pc) =	sbr.abs _section_cstart, $3  }
0xc0: {  	[dreg:$0x1] =	wrdreg $0xFFFFFFFF  }
0xc1: {  	_ =	task.clear_ibuf [dreg:s7], $0x2FFFF;
	_ =	strace $0x9FFFFFFF  }
0xc2: {  	(tm) =	ssettm $0x7FFFFFFF  }
0xc3: {  	_ =	shalt  }
tec
execute0_lowered:
.L_overlay_start_1:
0x0: {  	(tag) =	ssettag $0x1  }
0x1: {  	s1 =	srdreg.scid;
	s0 =	stileid.u32  }
0x2: {  	s2 =	rddreg [dreg:$0x0];
	s10 =	sand.u32 $0x1, s1;
	s29 =	sshll.u32 s0, $0x1  }
0x3: {  	s11 =	rddreg [dreg:$0x1];
	s12 =	sor.u32 s10, s29  }
0x4: {  	s3 =	simm.s32 $0x0;
	s1 =	rddreg [dreg:$0x2];
	s4 =	sshll.u32 s12, $0x5  }
0x5: {  	[smem:$0x7FF] =	sst s3;
	s4 =	sadd.s32 s4, s11  }
0x6: {  	_ =	strace $0x80000047;
	s5 =	sadd.s32 $0x1800, s4;
	s4 =	simm.s32 $0x2  }
0x7: {  	[tilespmem:s3], [sflag:$0x2] =	stream.linear.gather [hbm4b:s5+s3], $0x100, $0x38;
	[tilespmem:$0x4100] =	vst v63  }
0x8: {  	_ =	swait.ge [sflag:s4], $0x100  }
0x9: {  	[sflag:s4] =	ssyncset.done $0x0  }
0xa: {  	s6 =	simm.s32 $0x80;
	s7 =	simm.s32 $0x100;
	[sflag:s4] =	ssyncadd.s32 $0xFFFFFF00  }
0xb: {  	[tilespmem:s7], [sflag:$0x1] =	stream.indirect.gather [hbm4b:s2+s6], $0x40, s3, s6, $0xb8;
	[tilespmem:$0x4100] =	vst v63  }
0xc: {  	s8 =	simm.s32 $0x2100;
	s9 =	simm.s32 $0x1;
	s10 =	ssub.s32 $0x2, s10  }
0xd: {  	[tilespmem:s8], [sflag:$0x1] =	stream.indirect.gather [hbm4b:s2+s6], $0x40, s6, s6, $0xb8;
	[tilespmem:$0x4100] =	vst v63  }
0xe: {  	s13 =	sshrl.u32 s10, $0x1;
	_ =	swait.ge [sflag:s9], $0x2000  }
0xf: {  	s30 =	ssub.s32 s10, s13;
	[sflag:s9] =	ssyncset.done $0x0  }
0x10: {  	s31 =	smax.u32 s30, $0x1;
	[sflag:s9] =	ssyncadd.s32 $0xFFFFE000  }
0x11: {  	s12 =	sshll.u32 s12, $0xB;
	p0 =	sne.s32 s31, $0x1;
	_ =	swait.ge [sflag:s9], $0x2000  }
.Ltmp0:
0x12: {  	s11 =	sadd.s32 s12, s11;
	[sflag:s9] =	ssyncset.done $0x0;
	(pc) =	sbr.rel @!p0 .LBB2_2-.Ltmp0, $4  }
0x13: {  	s10 =	sadd.s32 $0x1C00, s11;
	[sflag:s9] =	ssyncadd.s32 $0xFFFFE000  }
0x14: {  	[hbm4b:s10+s3] =	stream.linear.scatter [tilespmem:s7], [sflag:$0x2], $0x4000, $0x38;
	[tilespmem:$0x4100] =	vst v63  }
0x15: {  	_ =	swait.ge [sflag:s4], $0x4000  }
0x16: {  	s11 =	sadd.s32 $0xFFFFFFFF, s31;
	[sflag:s4] =	ssyncset.done $0x0  }
.LBB2_1:
0x17: {  	p0 =	sne.s32 s11, $0x1;
	s11 =	sadd.s32 $0xFFFFFFFF, s11;
	[sflag:s4] =	ssyncadd.s32 $0xFFFFC000  }
0x18: {  	[tilespmem:s3], [sflag:$0x2] =	stream.linear.gather [hbm4b:s5+s3], $0x100, $0x38;
	[tilespmem:$0x4100] =	vst v63  }
0x19: {  	_ =	swait.ge [sflag:s4], $0x100  }
0x1a: {  	[sflag:s4] =	ssyncset.done $0x0  }
0x1b: {  	[sflag:s4] =	ssyncadd.s32 $0xFFFFFF00  }
0x1c: {  	[tilespmem:s7], [sflag:$0x1] =	stream.indirect.gather [hbm4b:s2+s6], $0x40, s3, s6, $0xb8;
	[tilespmem:$0x4100] =	vst v63  }
0x1d: {  	_ = 	snop  }
0x1e: {  	[tilespmem:s8], [sflag:$0x1] =	stream.indirect.gather [hbm4b:s2+s6], $0x40, s6, s6, $0xb8;
	[tilespmem:$0x4100] =	vst v63  }
0x1f: {  	_ =	swait.ge [sflag:s9], $0x2000  }
0x20: {  	[sflag:s9] =	ssyncset.done $0x0  }
0x21: {  	[sflag:s9] =	ssyncadd.s32 $0xFFFFE000  }
0x22: {  	_ =	swait.ge [sflag:s9], $0x2000  }
.Ltmp1:
0x23: {  	[sflag:s9] =	ssyncset.done $0x0;
	(pc) =	sbr.rel @p0 .LBB2_1-.Ltmp1, $4  }
0x24: {  	[sflag:s9] =	ssyncadd.s32 $0xFFFFE000  }
0x25: {  	[hbm4b:s10+s3] =	stream.linear.scatter [tilespmem:s7], [sflag:$0x2], $0x4000, $0x38;
	[tilespmem:$0x4100] =	vst v63  }
0x26: {  	_ =	swait.ge [sflag:s4], $0x4000  }
0x27: {  	[sflag:s4] =	ssyncset.done $0x0  }
.LBB2_2:
0x28: {  	[sflag:s4] =	ssyncadd.s32 $0xFFFFC000  }
0x29: {  	_ =	sfence.sel $0x180000  }
0x2a: {  	[bflag:$0x0] =	sbarrier.arrive $0xFFFF  }
0x2b: {  	p0 =	sne.s32 s0, $0x0;
	_ =	strace $0x90000047  }
0x2c: {  	s0 =	sadd.s32 @!p0 $0x100000, s1;
	[bflag:$0x2] =	sbarrier.arrive $0xFFFF  }
0x2d: {  	[sflag:s0] =	ssyncadd.tile.s32 @!p0 $0x1;
	_ =	shalt  }
.Lfunc_end2:
_tile_overlayer_lowered:
.L_overlay_start_2:
0x2e: {  	(tag) =	ssettag $0x2  }
0x2f: {  	s0 =	rddreg [dreg:$0x0];
	s2 =	stileid.u32  }
0x30: {  	s1 =	rddreg [dreg:$0x1];
	p0 =	sne.s32 s2, $0x0  }
0x31: {  	s3 =	rddreg [dreg:$0x2];
	[bflag:$0x3] =	sbarrier.arrive $0xFFFF;
	s2 =	simm.s32 @!p0 $0x1C02  }
0x32: {  	[timem:s3], [sflag:s2] =	dma.local @!p0 [hbm:s0], s1  }
0x33: {  	s0 =	simm.s32 @!p0 $0x2  }
0x34: {  	_ =	swait.ge @!p0 [sflag:s0], s1  }
0x35: {  	s1 =	ssub.s32 @!p0 $0x0, s1;
	[sflag:s0] =	ssyncset.done @!p0 $0x0  }
0x36: {  	[sflag:s0] =	ssyncadd.s32 @!p0 s1  }
0x37: {  	[bflag:$0x3] =	sbarrier.arrive $0xFFFF  }
0x38: {  	_ =	shalt  }

</sc_bundles>
